<compile_context>
chip_gen: v7x
topology: tpu7x:2x2x1
jax: 0.10.2.dev20260603
libtpu: 0.0.44.dev20260713+nightly
codegen_flags: <defaults>
</compile_context>

<pallas_src>
import functools

import jax
import jax.numpy as jnp
from jax import lax
from jax.experimental import pallas as pl
from jax.experimental.pallas import tpu as pltpu
from jax.experimental.pallas import tpu_sc as plsc


def _emb_lookup(n_tokens, vocab, dim, num_workers, chunk):
    n_per_w = n_tokens // num_workers
    n_chunks = n_per_w // chunk
    assert n_chunks % 2 == 0 and n_chunks >= 4
    mesh = plsc.VectorSubcoreMesh(core_axis_name="c", subcore_axis_name="s")
    num_cores = 2

    @functools.partial(
        pl.kernel,
        mesh=mesh,
        out_type=jax.ShapeDtypeStruct((n_tokens, dim), jnp.float32),
        scratch_types=[
            pltpu.VMEM((n_per_w,), jnp.int32),
            pltpu.VMEM((chunk, dim), jnp.float32),
            pltpu.VMEM((chunk, dim), jnp.float32),
            pltpu.SemaphoreType.DMA,
            pltpu.SemaphoreType.DMA,
            pltpu.SemaphoreType.DMA,
            pltpu.SemaphoreType.DMA,
        ],
    )
    def emb(tok_hbm, table_hbm, out_hbm, idx_v, rows0, rows1, g0, g1, w0, w1):
        wid = lax.axis_index("s") * num_cores + lax.axis_index("c")
        base = wid * n_per_w
        pltpu.sync_copy(tok_hbm.at[pl.ds(base, n_per_w)], idx_v)

        rows = (rows0, rows1)
        gsem = (g0, g1)
        wsem = (w0, w1)

        def gather_desc(g, b):
            return pltpu.make_async_copy(
                table_hbm.at[idx_v.at[pl.ds(g * chunk, chunk)]], rows[b], gsem[b]
            )

        def write_desc(g, b):
            return pltpu.make_async_copy(
                rows[b], out_hbm.at[pl.ds(base + g * chunk, chunk)], wsem[b]
            )

        gather_desc(0, 0).start()
        gather_desc(1, 1).start()

        def body(i, carry):
            g2 = i * 2
            for b in range(2):
                gather_desc(g2 + b, b).wait()
                write_desc(g2 + b, b).start()
            for b in range(2):
                write_desc(g2 + b, b).wait()
                gather_desc(g2 + 2 + b, b).start()
            return carry

        lax.fori_loop(0, n_chunks // 2 - 1, body, 0)

        last = n_chunks - 2
        for b in range(2):
            gather_desc(last + b, b).wait()
            write_desc(last + b, b).start()
        for b in range(2):
            write_desc(last + b, b).wait()

    return emb


def kernel(tokens, start_pos, tok_embeddings_weight):
    b, s = tokens.shape
    v, d = tok_embeddings_weight.shape
    n = b * s
    flat = tokens.reshape(n)
    emb = _emb_lookup(n, v, d, num_workers=32, chunk=32)
    out = emb(flat, tok_embeddings_weight)
    return out.reshape(b, s, d)

# --- scband reference (transcript-rebuilt; emitter-appended) ---
"""Pipeline reference for scband-transformer-12266426597945 (READ-ONLY COPY).

The authoritative reference and input builder live on the scoring server;
editing this copy changes nothing except your own understanding.
"""

import jax, jax.numpy as jnp
import numpy as np

VOCAB = 100000
DIM = 1024
BATCH = 4
SEQLEN = 8192


def setup_inputs(seed: int = 0) -> dict:
    key = jax.random.key(seed)
    k_tok, k_tab = jax.random.split(key)
    tokens = jax.random.randint(k_tok, (BATCH, SEQLEN), 0, VOCAB, dtype=jnp.int32)
    tok_embeddings_weight = jax.random.normal(k_tab, (VOCAB, DIM), dtype=jnp.float32) * 0.02
    return {
        "tokens": tokens,
        "start_pos": 0,
        "tok_embeddings_weight": tok_embeddings_weight,
    }


def reference(tokens, start_pos, tok_embeddings_weight):
    # Faithful to the torch module's forward: only the token embedding lookup
    # is performed and the raw embeddings are returned (layers/norm/output are
    # never invoked before the early return).
    h = jnp.take(tok_embeddings_weight, tokens, axis=0)  # [B, S, D]
    embeddings = h
    return embeddings

if __name__ == "__main__":
    import jax
    _d = setup_inputs()
    print(jax.jit(kernel)(*tuple(_d.values())))

</pallas_src>

<mosaic_0001>
#map = affine_map<(d0, d1) -> (0)>
#map1 = affine_map<(d0, d1) -> (0, 0)>
module attributes {stable_mosaic.version = 14 : i64} {
  func.func @emb(%arg0: i32, %arg1: i32, %arg2: memref<32768xi32, #tpu.memory_space<hbm>>, %arg3: memref<100000x1024xf32, #tpu.memory_space<hbm>>, %arg4: memref<32768x1024xf32, #tpu.memory_space<hbm>>, %arg5: memref<1024xi32, #tpu.memory_space<vmem>>, %arg6: memref<32x1024xf32, #tpu.memory_space<vmem>>, %arg7: memref<32x1024xf32, #tpu.memory_space<vmem>>, %arg8: memref<!tpu.dma_semaphore, #tpu.memory_space<semaphore_mem>>, %arg9: memref<!tpu.dma_semaphore, #tpu.memory_space<semaphore_mem>>, %arg10: memref<!tpu.dma_semaphore, #tpu.memory_space<semaphore_mem>>, %arg11: memref<!tpu.dma_semaphore, #tpu.memory_space<semaphore_mem>>) attributes {dimension_semantics = [#tpu.dimension_semantics<core_parallel>, #tpu.dimension_semantics<subcore_parallel>], iteration_bounds = array<i64: 2, 16>, scalar_prefetch = 0 : i64, scratch_operands = 7 : i64, tpu.core_type = #tpu.core_type<sc_vector_subcore>, window_params = [{transform_indices = #map}, {transform_indices = #map1}, {transform_indices = #map1}]} {
    %mul3A = arith.constant 2 : i32
    %mul3A_0 = arith.muli %arg1, %mul3A : i32
    %add3A = arith.addi %mul3A_0, %arg0 : i32
    %mul3A_1 = arith.constant 1024 : i32
    %mul3A_2 = arith.muli %add3A, %mul3A_1 : i32
    "tpu.region"() ({
      %run_scoped3A = tpu.sem_alloc : memref<!tpu.dma_semaphore, #tpu.memory_space<semaphore_mem>>
      %dma_start3A_50 = tpu.memref_slice %arg2[%mul3A_2] : memref<32768xi32, #tpu.memory_space<hbm>> -> memref<1024xi32, #tpu.memory_space<hbm>>
      %dma_start3A_51 = tpu.memref_slice %arg2[%mul3A_2] : memref<32768xi32, #tpu.memory_space<hbm>> -> memref<1024xi32, #tpu.memory_space<hbm>>
      tpu.enqueue_dma source(%dma_start3A_51 : memref<1024xi32, #tpu.memory_space<hbm>>) target(%arg5 : memref<1024xi32, #tpu.memory_space<vmem>>) target_semaphore(%run_scoped3A : memref<!tpu.dma_semaphore, #tpu.memory_space<semaphore_mem>>)
      %dma_wait3A_52 = tpu.memref_slice %arg2[%mul3A_2] : memref<32768xi32, #tpu.memory_space<hbm>> -> memref<1024xi32, #tpu.memory_space<hbm>>
      %dma_wait3A_53 = tpu.memref_slice %arg2[%mul3A_2] : memref<32768xi32, #tpu.memory_space<hbm>> -> memref<1024xi32, #tpu.memory_space<hbm>>
      tpu.wait_dma2 semaphore(%run_scoped3A : memref<!tpu.dma_semaphore, #tpu.memory_space<semaphore_mem>>) src(%dma_wait3A_53 : memref<1024xi32, #tpu.memory_space<hbm>>) dst(%arg5 : memref<1024xi32, #tpu.memory_space<vmem>>)
      tpu.yield
    }) : () -> ()
    %dma_start3A = arith.constant 0 : i32
    %dma_start3A_3 = tpu.memref_slice %arg5[%dma_start3A] : memref<1024xi32, #tpu.memory_space<vmem>> -> memref<32xi32, #tpu.memory_space<vmem>>
    %dma_start3A_4 = arith.constant 0 : i32
    %dma_start3A_5 = arith.constant 0 : i32
    %dma_start3A_6 = tpu.memref_slice %arg3[%dma_start3A_4, %dma_start3A_5] : memref<100000x1024xf32, #tpu.memory_space<hbm>> -> memref<100000x1024xf32, #tpu.memory_space<hbm>>
    tpu.enqueue_indirect_dma source(%dma_start3A_6 : memref<100000x1024xf32, #tpu.memory_space<hbm>>) target(%arg6 : memref<32x1024xf32, #tpu.memory_space<vmem>>) offsets(%dma_start3A_3 : memref<32xi32, #tpu.memory_space<vmem>>) semaphore(%arg8 : memref<!tpu.dma_semaphore, #tpu.memory_space<semaphore_mem>>)
    %dma_start3A_7 = arith.constant 32 : i32
    %dma_start3A_8 = tpu.memref_slice %arg5[%dma_start3A_7] : memref<1024xi32, #tpu.memory_space<vmem>> -> memref<32xi32, #tpu.memory_space<vmem>>
    %dma_start3A_9 = arith.constant 0 : i32
    %dma_start3A_10 = arith.constant 0 : i32
    %dma_start3A_11 = tpu.memref_slice %arg3[%dma_start3A_9, %dma_start3A_10] : memref<100000x1024xf32, #tpu.memory_space<hbm>> -> memref<100000x1024xf32, #tpu.memory_space<hbm>>
    tpu.enqueue_indirect_dma source(%dma_start3A_11 : memref<100000x1024xf32, #tpu.memory_space<hbm>>) target(%arg7 : memref<32x1024xf32, #tpu.memory_space<vmem>>) offsets(%dma_start3A_8 : memref<32xi32, #tpu.memory_space<vmem>>) semaphore(%arg9 : memref<!tpu.dma_semaphore, #tpu.memory_space<semaphore_mem>>)
    %scan3A = arith.constant 0 : i32
    %scan3A_12 = arith.constant 0 : i32
    %scan3A_13 = arith.constant 15 : i32
    %scan3A_14 = arith.addi %scan3A_12, %scan3A_13 : i32
    %scan3A_15 = arith.constant 1 : i32
    scf.for %scan3A_50 = %scan3A_12 to %scan3A_14 step %scan3A_15  : i32 {
      %mul3A_51 = arith.constant 2 : i32
      %mul3A_52 = arith.muli %scan3A_50, %mul3A_51 : i32
      %add3A_53 = arith.constant 0 : i32
      %add3A_54 = arith.addi %mul3A_52, %add3A_53 : i32
      %mul3A_55 = arith.constant 32 : i32
      %mul3A_56 = arith.muli %add3A_54, %mul3A_55 : i32
      %dma_wait3A_57 = tpu.memref_slice %arg5[%mul3A_56] : memref<1024xi32, #tpu.memory_space<vmem>> -> memref<32xi32, #tpu.memory_space<vmem>>
      %dma_wait3A_58 = arith.constant 0 : i32
      %dma_wait3A_59 = arith.constant 0 : i32
      %dma_wait3A_60 = tpu.memref_slice %arg3[%dma_wait3A_58, %dma_wait3A_59] : memref<100000x1024xf32, #tpu.memory_space<hbm>> -> memref<100000x1024xf32, #tpu.memory_space<hbm>>
      tpu.wait_indirect_dma semaphore(%arg8 : memref<!tpu.dma_semaphore, #tpu.memory_space<semaphore_mem>>) src(%dma_wait3A_60 : memref<100000x1024xf32, #tpu.memory_space<hbm>>) dst(%arg6 : memref<32x1024xf32, #tpu.memory_space<vmem>>)
      %add3A_61 = arith.constant 0 : i32
      %add3A_62 = arith.addi %mul3A_52, %add3A_61 : i32
      %mul3A_63 = arith.constant 32 : i32
      %mul3A_64 = arith.muli %add3A_62, %mul3A_63 : i32
      %add3A_65 = arith.addi %mul3A_2, %mul3A_64 : i32
      %dma_start3A_66 = arith.constant 0 : i32
      %dma_start3A_67 = tpu.memref_slice %arg4[%add3A_65, %dma_start3A_66] : memref<32768x1024xf32, #tpu.memory_space<hbm>> -> memref<32x1024xf32, #tpu.memory_space<hbm>>
      %dma_start3A_68 = arith.constant 0 : i32
      %dma_start3A_69 = tpu.memref_slice %arg4[%add3A_65, %dma_start3A_68] : memref<32768x1024xf32, #tpu.memory_space<hbm>> -> memref<32x1024xf32, #tpu.memory_space<hbm>>
      tpu.enqueue_dma source(%arg6 : memref<32x1024xf32, #tpu.memory_space<vmem>>) target(%dma_start3A_69 : memref<32x1024xf32, #tpu.memory_space<hbm>>) target_semaphore(%arg10 : memref<!tpu.dma_semaphore, #tpu.memory_space<semaphore_mem>>)
      %add3A_70 = arith.constant 1 : i32
      %add3A_71 = arith.addi %mul3A_52, %add3A_70 : i32
      %mul3A_72 = arith.constant 32 : i32
      %mul3A_73 = arith.muli %add3A_71, %mul3A_72 : i32
      %dma_wait3A_74 = tpu.memref_slice %arg5[%mul3A_73] : memref<1024xi32, #tpu.memory_space<vmem>> -> memref<32xi32, #tpu.memory_space<vmem>>
      %dma_wait3A_75 = arith.constant 0 : i32
      %dma_wait3A_76 = arith.constant 0 : i32
      %dma_wait3A_77 = tpu.memref_slice %arg3[%dma_wait3A_75, %dma_wait3A_76] : memref<100000x1024xf32, #tpu.memory_space<hbm>> -> memref<100000x1024xf32, #tpu.memory_space<hbm>>
      tpu.wait_indirect_dma semaphore(%arg9 : memref<!tpu.dma_semaphore, #tpu.memory_space<semaphore_mem>>) src(%dma_wait3A_77 : memref<100000x1024xf32, #tpu.memory_space<hbm>>) dst(%arg7 : memref<32x1024xf32, #tpu.memory_space<vmem>>)
      %add3A_78 = arith.constant 1 : i32
      %add3A_79 = arith.addi %mul3A_52, %add3A_78 : i32
      %mul3A_80 = arith.constant 32 : i32
      %mul3A_81 = arith.muli %add3A_79, %mul3A_80 : i32
      %add3A_82 = arith.addi %mul3A_2, %mul3A_81 : i32
      %dma_start3A_83 = arith.constant 0 : i32
      %dma_start3A_84 = tpu.memref_slice %arg4[%add3A_82, %dma_start3A_83] : memref<32768x1024xf32, #tpu.memory_space<hbm>> -> memref<32x1024xf32, #tpu.memory_space<hbm>>
      %dma_start3A_85 = arith.constant 0 : i32
      %dma_start3A_86 = tpu.memref_slice %arg4[%add3A_82, %dma_start3A_85] : memref<32768x1024xf32, #tpu.memory_space<hbm>> -> memref<32x1024xf32, #tpu.memory_space<hbm>>
      tpu.enqueue_dma source(%arg7 : memref<32x1024xf32, #tpu.memory_space<vmem>>) target(%dma_start3A_86 : memref<32x1024xf32, #tpu.memory_space<hbm>>) target_semaphore(%arg11 : memref<!tpu.dma_semaphore, #tpu.memory_space<semaphore_mem>>)
      %add3A_87 = arith.constant 0 : i32
      %add3A_88 = arith.addi %mul3A_52, %add3A_87 : i32
      %mul3A_89 = arith.constant 32 : i32
      %mul3A_90 = arith.muli %add3A_88, %mul3A_89 : i32
      %add3A_91 = arith.addi %mul3A_2, %mul3A_90 : i32
      %dma_wait3A_92 = arith.constant 0 : i32
      %dma_wait3A_93 = tpu.memref_slice %arg4[%add3A_91, %dma_wait3A_92] : memref<32768x1024xf32, #tpu.memory_space<hbm>> -> memref<32x1024xf32, #tpu.memory_space<hbm>>
      %dma_wait3A_94 = arith.constant 0 : i32
      %dma_wait3A_95 = tpu.memref_slice %arg4[%add3A_91, %dma_wait3A_94] : memref<32768x1024xf32, #tpu.memory_space<hbm>> -> memref<32x1024xf32, #tpu.memory_space<hbm>>
      tpu.wait_dma2 semaphore(%arg10 : memref<!tpu.dma_semaphore, #tpu.memory_space<semaphore_mem>>) src(%arg6 : memref<32x1024xf32, #tpu.memory_space<vmem>>) dst(%dma_wait3A_95 : memref<32x1024xf32, #tpu.memory_space<hbm>>)
      %add3A_96 = arith.constant 2 : i32
      %add3A_97 = arith.addi %mul3A_52, %add3A_96 : i32
      %add3A_98 = arith.constant 0 : i32
      %add3A_99 = arith.addi %add3A_97, %add3A_98 : i32
      %mul3A_100 = arith.constant 32 : i32
      %mul3A_101 = arith.muli %add3A_99, %mul3A_100 : i32
      %dma_start3A_102 = tpu.memref_slice %arg5[%mul3A_101] : memref<1024xi32, #tpu.memory_space<vmem>> -> memref<32xi32, #tpu.memory_space<vmem>>
      %dma_start3A_103 = arith.constant 0 : i32
      %dma_start3A_104 = arith.constant 0 : i32
      %dma_start3A_105 = tpu.memref_slice %arg3[%dma_start3A_103, %dma_start3A_104] : memref<100000x1024xf32, #tpu.memory_space<hbm>> -> memref<100000x1024xf32, #tpu.memory_space<hbm>>
      tpu.enqueue_indirect_dma source(%dma_start3A_105 : memref<100000x1024xf32, #tpu.memory_space<hbm>>) target(%arg6 : memref<32x1024xf32, #tpu.memory_space<vmem>>) offsets(%dma_start3A_102 : memref<32xi32, #tpu.memory_space<vmem>>) semaphore(%arg8 : memref<!tpu.dma_semaphore, #tpu.memory_space<semaphore_mem>>)
      %add3A_106 = arith.constant 1 : i32
      %add3A_107 = arith.addi %mul3A_52, %add3A_106 : i32
      %mul3A_108 = arith.constant 32 : i32
      %mul3A_109 = arith.muli %add3A_107, %mul3A_108 : i32
      %add3A_110 = arith.addi %mul3A_2, %mul3A_109 : i32
      %dma_wait3A_111 = arith.constant 0 : i32
      %dma_wait3A_112 = tpu.memref_slice %arg4[%add3A_110, %dma_wait3A_111] : memref<32768x1024xf32, #tpu.memory_space<hbm>> -> memref<32x1024xf32, #tpu.memory_space<hbm>>
      %dma_wait3A_113 = arith.constant 0 : i32
      %dma_wait3A_114 = tpu.memref_slice %arg4[%add3A_110, %dma_wait3A_113] : memref<32768x1024xf32, #tpu.memory_space<hbm>> -> memref<32x1024xf32, #tpu.memory_space<hbm>>
      tpu.wait_dma2 semaphore(%arg11 : memref<!tpu.dma_semaphore, #tpu.memory_space<semaphore_mem>>) src(%arg7 : memref<32x1024xf32, #tpu.memory_space<vmem>>) dst(%dma_wait3A_114 : memref<32x1024xf32, #tpu.memory_space<hbm>>)
      %add3A_115 = arith.constant 2 : i32
      %add3A_116 = arith.addi %mul3A_52, %add3A_115 : i32
      %add3A_117 = arith.constant 1 : i32
      %add3A_118 = arith.addi %add3A_116, %add3A_117 : i32
      %mul3A_119 = arith.constant 32 : i32
      %mul3A_120 = arith.muli %add3A_118, %mul3A_119 : i32
      %dma_start3A_121 = tpu.memref_slice %arg5[%mul3A_120] : memref<1024xi32, #tpu.memory_space<vmem>> -> memref<32xi32, #tpu.memory_space<vmem>>
      %dma_start3A_122 = arith.constant 0 : i32
      %dma_start3A_123 = arith.constant 0 : i32
      %dma_start3A_124 = tpu.memref_slice %arg3[%dma_start3A_122, %dma_start3A_123] : memref<100000x1024xf32, #tpu.memory_space<hbm>> -> memref<100000x1024xf32, #tpu.memory_space<hbm>>
      tpu.enqueue_indirect_dma source(%dma_start3A_124 : memref<100000x1024xf32, #tpu.memory_space<hbm>>) target(%arg7 : memref<32x1024xf32, #tpu.memory_space<vmem>>) offsets(%dma_start3A_121 : memref<32xi32, #tpu.memory_space<vmem>>) semaphore(%arg9 : memref<!tpu.dma_semaphore, #tpu.memory_space<semaphore_mem>>)
    }
    %scan3A_16 = arith.constant 15 : i32
    %dma_wait3A = arith.constant 960 : i32
    %dma_wait3A_17 = tpu.memref_slice %arg5[%dma_wait3A] : memref<1024xi32, #tpu.memory_space<vmem>> -> memref<32xi32, #tpu.memory_space<vmem>>
    %dma_wait3A_18 = arith.constant 0 : i32
    %dma_wait3A_19 = arith.constant 0 : i32
    %dma_wait3A_20 = tpu.memref_slice %arg3[%dma_wait3A_18, %dma_wait3A_19] : memref<100000x1024xf32, #tpu.memory_space<hbm>> -> memref<100000x1024xf32, #tpu.memory_space<hbm>>
    tpu.wait_indirect_dma semaphore(%arg8 : memref<!tpu.dma_semaphore, #tpu.memory_space<semaphore_mem>>) src(%dma_wait3A_20 : memref<100000x1024xf32, #tpu.memory_space<hbm>>) dst(%arg6 : memref<32x1024xf32, #tpu.memory_space<vmem>>)
    %add3A_21 = arith.constant 960 : i32
    %add3A_22 = arith.addi %mul3A_2, %add3A_21 : i32
    %dma_start3A_23 = arith.constant 0 : i32
    %dma_start3A_24 = tpu.memref_slice %arg4[%add3A_22, %dma_start3A_23] : memref<32768x1024xf32, #tpu.memory_space<hbm>> -> memref<32x1024xf32, #tpu.memory_space<hbm>>
    %dma_start3A_25 = arith.constant 0 : i32
    %dma_start3A_26 = tpu.memref_slice %arg4[%add3A_22, %dma_start3A_25] : memref<32768x1024xf32, #tpu.memory_space<hbm>> -> memref<32x1024xf32, #tpu.memory_space<hbm>>
    tpu.enqueue_dma source(%arg6 : memref<32x1024xf32, #tpu.memory_space<vmem>>) target(%dma_start3A_26 : memref<32x1024xf32, #tpu.memory_space<hbm>>) target_semaphore(%arg10 : memref<!tpu.dma_semaphore, #tpu.memory_space<semaphore_mem>>)
    %dma_wait3A_27 = arith.constant 992 : i32
    %dma_wait3A_28 = tpu.memref_slice %arg5[%dma_wait3A_27] : memref<1024xi32, #tpu.memory_space<vmem>> -> memref<32xi32, #tpu.memory_space<vmem>>
    %dma_wait3A_29 = arith.constant 0 : i32
    %dma_wait3A_30 = arith.constant 0 : i32
    %dma_wait3A_31 = tpu.memref_slice %arg3[%dma_wait3A_29, %dma_wait3A_30] : memref<100000x1024xf32, #tpu.memory_space<hbm>> -> memref<100000x1024xf32, #tpu.memory_space<hbm>>
    tpu.wait_indirect_dma semaphore(%arg9 : memref<!tpu.dma_semaphore, #tpu.memory_space<semaphore_mem>>) src(%dma_wait3A_31 : memref<100000x1024xf32, #tpu.memory_space<hbm>>) dst(%arg7 : memref<32x1024xf32, #tpu.memory_space<vmem>>)
    %add3A_32 = arith.constant 992 : i32
    %add3A_33 = arith.addi %mul3A_2, %add3A_32 : i32
    %dma_start3A_34 = arith.constant 0 : i32
    %dma_start3A_35 = tpu.memref_slice %arg4[%add3A_33, %dma_start3A_34] : memref<32768x1024xf32, #tpu.memory_space<hbm>> -> memref<32x1024xf32, #tpu.memory_space<hbm>>
    %dma_start3A_36 = arith.constant 0 : i32
    %dma_start3A_37 = tpu.memref_slice %arg4[%add3A_33, %dma_start3A_36] : memref<32768x1024xf32, #tpu.memory_space<hbm>> -> memref<32x1024xf32, #tpu.memory_space<hbm>>
    tpu.enqueue_dma source(%arg7 : memref<32x1024xf32, #tpu.memory_space<vmem>>) target(%dma_start3A_37 : memref<32x1024xf32, #tpu.memory_space<hbm>>) target_semaphore(%arg11 : memref<!tpu.dma_semaphore, #tpu.memory_space<semaphore_mem>>)
    %add3A_38 = arith.constant 960 : i32
    %add3A_39 = arith.addi %mul3A_2, %add3A_38 : i32
    %dma_wait3A_40 = arith.constant 0 : i32
    %dma_wait3A_41 = tpu.memref_slice %arg4[%add3A_39, %dma_wait3A_40] : memref<32768x1024xf32, #tpu.memory_space<hbm>> -> memref<32x1024xf32, #tpu.memory_space<hbm>>
    %dma_wait3A_42 = arith.constant 0 : i32
    %dma_wait3A_43 = tpu.memref_slice %arg4[%add3A_39, %dma_wait3A_42] : memref<32768x1024xf32, #tpu.memory_space<hbm>> -> memref<32x1024xf32, #tpu.memory_space<hbm>>
    tpu.wait_dma2 semaphore(%arg10 : memref<!tpu.dma_semaphore, #tpu.memory_space<semaphore_mem>>) src(%arg6 : memref<32x1024xf32, #tpu.memory_space<vmem>>) dst(%dma_wait3A_43 : memref<32x1024xf32, #tpu.memory_space<hbm>>)
    %add3A_44 = arith.constant 992 : i32
    %add3A_45 = arith.addi %mul3A_2, %add3A_44 : i32
    %dma_wait3A_46 = arith.constant 0 : i32
    %dma_wait3A_47 = tpu.memref_slice %arg4[%add3A_45, %dma_wait3A_46] : memref<32768x1024xf32, #tpu.memory_space<hbm>> -> memref<32x1024xf32, #tpu.memory_space<hbm>>
    %dma_wait3A_48 = arith.constant 0 : i32
    %dma_wait3A_49 = tpu.memref_slice %arg4[%add3A_45, %dma_wait3A_48] : memref<32768x1024xf32, #tpu.memory_space<hbm>> -> memref<32x1024xf32, #tpu.memory_space<hbm>>
    tpu.wait_dma2 semaphore(%arg11 : memref<!tpu.dma_semaphore, #tpu.memory_space<semaphore_mem>>) src(%arg7 : memref<32x1024xf32, #tpu.memory_space<vmem>>) dst(%dma_wait3A_49 : memref<32x1024xf32, #tpu.memory_space<hbm>>)
    return
  }
}

</mosaic_0001>

<sc_bundles>
// kernel: kernel.3.cloned.1.call-start
scs
__scs_entry_jumppad:
0x0: {  	(pc) =	sbr.rel $0x88, $3  }
0x1: {  	(tag) =	ssettag $0x0;
	lr =	simm.s32 $0x1  }
0x2: {  	[smem:$0x3F9F] =	sst lr;
	_ =	strace $0xD0000000  }
0x3: {  	_ = 	snop  }
0x4: {  	_ = 	snop  }
0x5: {  	_ = 	snop  }
0x6: {  	_ = 	snop  }
0x7: {  	_ = 	snop  }
__scs_overlays_trampoline_lowered:
0x8: {  	[smem:$0x3FAE] =	sst s0  }
0x9: {  	[smem:$0x3FAF] =	sst s1  }
0xa: {  	[smem:$0x3FB0] =	sst s2  }
0xb: {  	[smem:$0x3FB1] =	sst s3  }
0xc: {  	[smem:$0x3FB2] =	sst s4  }
0xd: {  	[smem:$0x3FB3] =	sst s5  }
0xe: {  	[smem:$0x3FB4] =	sst s6  }
0xf: {  	[smem:$0x3FB5] =	sst s7  }
0x10: {  	[smem:$0x3FB6] =	sst s8  }
0x11: {  	[smem:$0x3FB7] =	sst s9;
	s0 =	simm.s32 @!p0 $0x0  }
0x12: {  	s1 =	sld [smem:$0x3F9D];
	s0 =	simm.s32 @p0 $0x1  }
0x13: {  	[smem:$0x3FB8] =	sst s0;
	s0 =	simm.s32 @!p1 $0x0  }
0x14: {  	s2 =	sld [smem:$0x3F9C];
	s0 =	simm.s32 @p1 $0x1  }
0x15: {  	[smem:$0x3FB9] =	sst s0;
	s0 =	simm.s32 @!p2 $0x0  }
0x16: {  	s3 =	sld [smem:$0x3FDB];
	s0 =	simm.s32 @p2 $0x1  }
0x17: {  	s4 =	simm.s32 $0x1BF5;
	[smem:$0x3FBB] =	sst s0  }
0x18: {  	s0 =	sld [smem:$0x3F9E];
	_ =	swait.ge [sflag:s4], $0x0  }
0x19: {  	s7 =	sld [smem:$0x3F9F]  }
0x1a: {  	s8 =	sadd.s32 $0xFFFFE003, lr  }
0x1b: {  	s9 =	sadd.s32 $0xFFFFFEF7, lr;
	s5 =	simm.s32 $0xFFFFFFFF;
	p2 =	slt.u32 s8, $0xFFFFF086  }
0x1c: {  	p1 =	slt.u32 s9, $0xF7A;
	s5 =	simm.s32 @!p2 $0x0  }
0x1d: {  	s5 =	simm.s32 @p1 $0x1;
	p0 =	seq.s32 s7, s2  }
0x1e: {  	s7 =	smul.u32 @!p0 $0xF7A, s2;
	p2 =	seq.s32 @!p0 s5, $0x0  }
0x1f: {  	s9 =	smul.u32 $0xF7A, s1;
	s8 =	simm.s32 @!p0 $0x1BF5;
	p2 =	por !p2, p0  }
0x20: {  	[sflag:s8] =	ssyncset.s32 @!p0 $0xFFFFF086;
	s6 =	sadd.s32 @!p0 s3, s7;
	s7 =	simm.s32 @!p0 $0x108  }
0x21: {  	s3 =	sadd.s32 s3, s9;
	s6 =	sadd.s32 @!p0 $0x88, s6;
	s7 =	simm.s32 @p2 $0x1082  }
0x22: {  	[simem:s7], [sflag:s8] =	dma.local @!p0 [hbm:s6], $0xF7A  }
0x23: {  	s9 =	sor.u32 $0xD0000000, s2;
	s6 =	simm.s32 $0x108;
	_ =	swait.ge @!p0 [sflag:s8], $0x0  }
0x24: {  	s3 =	sadd.s32 $0x88, s3;
	s6 =	simm.s32 @!p1 $0x1082;
	[sflag:s4] =	ssyncset.s32 $0xFFFFF086  }
0x25: {  	[simem:s6], [sflag:s4] =	dma.local [hbm:s3], $0xF7A  }
0x26: {  	[smem:$0x3F9F] =	sst s1;
	(tag) =	ssettag s2;
	_ =	strace s9  }
0x27: {  	s1 =	sld [smem:$0x3FAF]  }
0x28: {  	s2 =	sld [smem:$0x3FB0]  }
0x29: {  	s4 =	sld [smem:$0x3FB2]  }
0x2a: {  	p0 =	seq.s32 s5, $0x0;
	s5 =	sld [smem:$0x3FB3]  }
0x2b: {  	s6 =	sld [smem:$0x3FB4]  }
0x2c: {  	s7 =	sld [smem:$0x3FB5]  }
0x2d: {  	s3 =	simm.s32 $0x108;
	s8 =	sld [smem:$0x3FB6]  }
0x2e: {  	s3 =	simm.s32 @!p0 $0x1082;
	s9 =	sld [smem:$0x3FB7]  }
0x2f: {  	lr =	sadd.s32 s0, s3;
	s0 =	sld [smem:$0x3FAE]  }
0x30: {  	s3 =	sld [smem:$0x3FB1]  }
0x31: {  	[smem:$0x3FBA] =	sst s10  }
0x32: {  	s10 =	sld [smem:$0x3FB8];
	_ =	sdelay $0x3  }
0x33: {  	p0 =	seq.s32 s10, $0x1;
	s10 =	sld [smem:$0x3FBA];
	_ =	sdelay $0x3  }
0x34: {  	[smem:$0x3FBA] =	sst s10  }
0x35: {  	s10 =	sld [smem:$0x3FB9];
	_ =	sdelay $0x3  }
0x36: {  	p1 =	seq.s32 s10, $0x1;
	s10 =	sld [smem:$0x3FBA];
	_ =	sdelay $0x3  }
0x37: {  	[smem:$0x3FBA] =	sst s10  }
0x38: {  	s10 =	sld [smem:$0x3FBB]  }
0x39: {  	_ = 	snop;
	(pc) =	sbr.ind lr, $3  }
0x3a: {  	_ = 	snop  }
0x3b: {  	_ = 	snop  }
0x3c: {  	p2 =	seq.s32 s10, $0x1;
	s10 =	sld [smem:$0x3FBA]  }
0x3d: {  	_ =	shalt  }
0x3e: {  	_ =	shalt  }
0x3f: {  	_ =	shalt  }
0x40: {  	_ =	shalt  }
0x41: {  	_ =	shalt  }
0x42: {  	_ =	shalt  }
0x43: {  	_ =	shalt  }
0x44: {  	_ =	shalt  }
0x45: {  	_ =	shalt  }
0x46: {  	_ =	shalt  }
0x47: {  	_ =	shalt  }
0x48: {  	_ =	shalt  }
0x49: {  	_ =	shalt  }
0x4a: {  	_ =	shalt  }
0x4b: {  	_ =	shalt  }
0x4c: {  	_ =	shalt  }
0x4d: {  	_ =	shalt  }
0x4e: {  	_ =	shalt  }
0x4f: {  	_ =	shalt  }
0x50: {  	_ =	shalt  }
0x51: {  	_ =	shalt  }
0x52: {  	_ =	shalt  }
0x53: {  	_ =	shalt  }
0x54: {  	_ =	shalt  }
0x55: {  	_ =	shalt  }
0x56: {  	_ =	shalt  }
0x57: {  	_ =	shalt  }
0x58: {  	_ =	shalt  }
0x59: {  	_ =	shalt  }
0x5a: {  	_ =	shalt  }
0x5b: {  	_ =	shalt  }
0x5c: {  	_ =	shalt  }
0x5d: {  	_ =	shalt  }
0x5e: {  	_ =	shalt  }
0x5f: {  	_ =	shalt  }
0x60: {  	_ =	shalt  }
0x61: {  	_ =	shalt  }
0x62: {  	_ =	shalt  }
0x63: {  	_ =	shalt  }
0x64: {  	_ =	shalt  }
0x65: {  	_ =	shalt  }
0x66: {  	_ =	shalt  }
0x67: {  	_ =	shalt  }
0x68: {  	_ =	shalt  }
0x69: {  	_ =	shalt  }
0x6a: {  	_ =	shalt  }
0x6b: {  	_ =	shalt  }
0x6c: {  	_ =	shalt  }
0x6d: {  	_ =	shalt  }
0x6e: {  	_ =	shalt  }
0x6f: {  	_ =	shalt  }
0x70: {  	_ =	shalt  }
0x71: {  	_ =	shalt  }
0x72: {  	_ =	shalt  }
0x73: {  	_ =	shalt  }
0x74: {  	_ =	shalt  }
0x75: {  	_ =	shalt  }
0x76: {  	_ =	shalt  }
0x77: {  	_ =	shalt  }
0x78: {  	_ =	shalt  }
0x79: {  	_ =	shalt  }
0x7a: {  	_ =	shalt  }
0x7b: {  	_ =	shalt  }
0x7c: {  	_ =	shalt  }
0x7d: {  	_ =	shalt  }
0x7e: {  	_ =	shalt  }
0x7f: {  	_ =	shalt  }
0x80: {  	_ =	shalt  }
0x81: {  	_ =	shalt  }
0x82: {  	_ =	shalt  }
0x83: {  	_ =	shalt  }
0x84: {  	_ =	shalt  }
0x85: {  	_ =	shalt  }
0x86: {  	_ =	shalt  }
0x87: {  	_ =	shalt  }
.Lfunc_end0:
.L_simem_size_0:
called_computation_lowered:
.L_overlay_start_0:
0x88: {  	s2 =	sld [smem:$0x3FD9]  }
0x89: {  	s3 =	sld [smem:$0x3FFE];
	_ =	sdelay $0x1  }
0x8a: {  	s1 =	srdreg.scid  }
0x8b: {  	s0 =	sand.u32 $0x1, s1  }
0x8c: {  	s17 =	sshll.u32 s0, $0xA;
	s2 =	sadd.s32 s3, s2  }
0x8d: {  	s2 =	sadd.s32 s2, s17  }
0x8e: {  	[smem:$0x3FC6] =	sst s2  }
0x8f: {  	_ = 	snop  }
0x90: {  	s2 =	sld [smem:$0x3FC8]  }
0x91: {  	s18 =	sld [smem:$0x3FD0];
	(tm) =	ssettm $0x1  }
0x92: {  	s4 =	sld [smem:$0x3FFB];
	_ =	sdelay $0x3  }
0x93: {  	_ =	strace s4  }
0x94: {  	s4 =	sld [smem:$0x3FFC];
	_ =	sdelay $0x3  }
0x95: {  	_ =	strace s4  }
0x96: {  	s4 =	sld [smem:$0x3FFD];
	_ =	sdelay $0x3  }
0x97: {  	_ =	strace s4  }
0x98: {  	_ =	strace $0x8FFFFFFF  }
0x99: {  	s19 =	sld [smem:$0x3FDB];
	_ =	sdelay $0x1  }
0x9a: {  	s5 =	simm.s32 $_scs_section_size  }
0x9b: {  	s6 =	simm.s32 $_size__tile_overlayer_lowered;
	s7 =	simm.s32 $_tile_overlayer_lowered  }
0x9c: {  	s22 =	simm.s32 $0x1BFF;
	s21 =	sshll.u32 s7, $0x1;
	s4 =	sadd.s32 s5, s19  }
0x9d: {  	s8 =	simm.s32 $0x0;
	s20 =	sshll.u32 s6, $0x1;
	s6 =	sadd.s32 s21, s4  }
0x9e: {  	[timem:s8], [sflag:s22] =	dma.local [hbm:s6], s20  }
0x9f: {  	_ =	swait.ge [sflag:s22], s20  }
0xa0: {  	s5 =	ssub.s32 $0x0, s20;
	[sflag:s22] =	ssyncset.done $0x0  }
0xa1: {  	[sflag:s22] =	ssyncadd.s32 s5;
	_ =	sdelay $0x1  }
0xa2: {  	s23 =	simm.s32 $0x1B8B  }
0xa3: {  	_ =	swait.ge [sflag:s23], $0x1  }
0xa4: {  	[sflag:s23] =	ssyncset.done $0x0  }
0xa5: {  	s25 =	simm.s32 $0x1B8E;
	s24 =	sld [smem:$0x3FFE];
	[sflag:s23] =	ssyncadd.s32 $0xFFFFFFFF  }
0xa6: {  	s26 =	simm.s32 $execute0_lowered;
	[smem:$0x3FD2] =	sst s25  }
0xa7: {  	s6 =	sshll.u32 s26, $0x1;
	_ =	strace $0x80000046;
	[dreg:$0x1] =	wrdreg $0xFFFFFFFF  }
0xa8: {  	s28 =	simm.s32 $_size_execute0_lowered;
	s4 =	sadd.s32 s4, s6;
	[dreg:$0x0] =	wrdreg $0x0  }
0xa9: {  	s6 =	sshll.u32 s28, $0x1;
	[dreg:$0x2] =	wrdreg s4  }
0xaa: {  	[dreg:$0x3] =	wrdreg s6  }
0xab: {  	[dreg:$0x4] =	wrdreg $0xC0  }
0xac: {  	_ =	task [dreg:s8], $0x5FFFF  }
0xad: {  	[dreg:$0x1] =	wrdreg $0xFFFFFFFF  }
0xae: {  	[dreg:$0x0] =	wrdreg $0x60  }
0xaf: {  	[dreg:$0x2] =	wrdreg s24  }
0xb0: {  	[dreg:$0x3] =	wrdreg s2  }
0xb1: {  	[dreg:$0x4] =	wrdreg s18  }
0xb2: {  	[dreg:$0x5] =	wrdreg $0x9  }
0xb3: {  	_ =	task.clear_ibuf [dreg:s8], $0x6FFFF;
	_ =	strace $0x90000046  }
0xb4: {  	s29 =	simm.s32 $0x9;
	_ =	strace $0x80000048  }
0xb5: {  	_ =	swait.ge [sflag:s29], $0x1  }
0xb6: {  	[sflag:s29] =	ssyncadd.s32 $0xFFFFFFFF  }
0xb7: {  	_ =	strace $0x90000048  }
0xb8: {  	_ =	sfence  }
0xb9: {  	s30 =	sld [smem:$0x0];
	_ =	sdelay $0x2  }
0xba: {  	s31 =	sshll.u32 s1, $0xD;
	s1 =	sshrl.u32 s1, $0x2  }
0xbb: {  	s3 =	sand.u32 $0x4000, s31;
	s1 =	sadd.s32 s1, s30  }
0xbc: {  	s0 =	sor.u32 s3, s0;
	s1 =	sshll.u32 s1, $0x11  }
0xbd: {  	s0 =	sor.u32 s1, s0  }
0xbe: {  	s0 =	sadd.s32 $0x8F2B, s0  }
0xbf: {  	[sflag:s0] =	ssyncadd.remote.s32 $0x1  }
0xc0: {  	_ =	sfence.sel $0xFFFF  }
0xc1: {  	[dreg:$0x0] =	wrdreg $0xFFFFFFFF;
	(pc) =	sbr.abs _section_cstart, $3  }
0xc2: {  	[dreg:$0x1] =	wrdreg $0xFFFFFFFF  }
0xc3: {  	_ =	task.clear_ibuf [dreg:s8], $0x2FFFF;
	_ =	strace $0x9FFFFFFF  }
0xc4: {  	(tm) =	ssettm $0x7FFFFFFF  }
0xc5: {  	_ =	shalt  }
tec
execute0_lowered:
.L_overlay_start_1:
0x0: {  	(tag) =	ssettag $0x1  }
0x1: {  	s0 =	rddreg [dreg:$0x0]  }
0x2: {  	s1 =	srdreg.scid;
	s2 =	rddreg [dreg:$0x1]  }
0x3: {  	s9 =	stileid.u32;
	s4 =	rddreg [dreg:$0x2]  }
0x4: {  	s29 =	simm.s32 $0x400;
	s31 =	simm.s32 $0x2400;
	s30 =	simm.s32 $0x2C00  }
0x5: {  	s11 =	simm.s32 $0x6400;
	s13 =	simm.s32 $0x6C00;
	s14 =	simm.s32 $0x7400  }
0x6: {  	s15 =	simm.s32 $0x7C00;
	s28 =	simm.s32 $0x8400;
	s16 =	simm.s32 $0x8C00  }
0x7: {  	s17 =	simm.s32 $0x9400;
	s18 =	simm.s32 $0x9C00;
	s12 =	simm.s32 $0xA400  }
0x8: {  	s19 =	simm.s32 $0x1;
	s20 =	simm.s32 $0x2;
	s21 =	simm.s32 $0x3  }
0x9: {  	s22 =	simm.s32 $0x4;
	s1 =	sand.u32 $0x1, s1;
	s3 =	sshll.u32 s9, $0xB  }
0xa: {  	s9 =	sshll.u32 s9, $0x12;
	s5 =	sshll.u32 s1, $0xA;
	s6 =	ssub.s32 $0x2, s1  }
0xb: {  	s1 =	sshll.u32 s1, $0x11;
	s7 =	sor.u32 s5, s3;
	s3 =	simm.s32 $0x0  }
0xc: {  	s23 =	sshrl.u32 s6, $0x1;
	s5 =	sshrl.u32 s7, $0x3;
	[smem:$0x7FF] =	sst s3  }
0xd: {  	s8 =	ssub.s32 s6, s23;
	s6 =	sadd.s32 $0x200, s2;
	s24 =	sshll.u32 s7, $0x7  }
0xe: {  	s7 =	sadd.s32 $0x300, s2;
	s23 =	simm.s32 $0x0;
	s0 =	sadd.s32 s5, s0  }
0xf: {  	_ =	strace $0x80000047;
	s25 =	smax.u32 s8, $0x1;
	[dreg:$0x9] =	wrdreg s23  }
0x10: {  	s5 =	sadd.s32 $0x100, s2;
	s0 =	sadd.s32 $0x400, s0;
	[dreg:$0x8] =	wrdreg s25  }
0x11: {  	s8 =	simm.s32 $0x4C00;
	[dreg:$0x5] =	wrdreg s0;
	s0 =	sadd.s32 s24, s4  }
0x12: {  	s25 =	simm.s32 $0xC00;
	s4 =	sadd.s32 s9, s4;
	s10 =	sadd.s32 $0x1E000, s0  }
0x13: {  	s24 =	simm.s32 $0x1400;
	s0 =	sadd.s32 $0x1F000, s0;
	[dreg:$0x6] =	wrdreg s10  }
0x14: {  	v2 =	vlaneseq.u32;
	s9 =	simm.s32 $0x5400;
	s26 =	sadd.s32 s1, s4;
	[dreg:$0x7] =	wrdreg s0  }
0x15: {  	vm0 =	vmmov $0xffff;
	v1 =	vshrl.u32 v2, $0x3;
	s1 =	simm.s32 $0x3400;
	s4 =	simm.s32 $0x4400;
	[dreg:$0x4] =	wrdreg s26  }
0x16: {  	v0 =	vand.u32 $0x7, v2;
	v2 =	vor.u32 $0x8, v2;
	v1 =	vmul.u32 $0x8, v1;
	s26 =	simm.s32 $0x1C00;
	s0 =	simm.s32 $0x3C00;
	s10 =	simm.s32 $0x5C00  }
.LBB2_1:
0x17: {  	s23 =	rddreg [dreg:$0x5]  }
0x18: {  	[tilespmem:s3], [sflag:$0x5] =	stream.linear.gather [hbm4b:s23+s3], $0x400, $0x38;
	[tilespmem:$0x10400] =	vst v63  }
0x19: {  	s23 =	simm.s32 $0x5  }
0x1a: {  	_ =	swait.ge [sflag:s23], $0x400  }
0x1b: {  	[sflag:s23] =	ssyncset.done $0x0  }
0x1c: {  	[sflag:s23] =	ssyncadd.s32 $0xFFFFFC00  }
0x1d: {  	v3 =	vld [tilespmem:$0x0];
	_ =	sdelay $0x4  }
0x1e: {  	v4 =	vshll.u32 v3, $0x3  }
0x1f: {  	v3 =	vand.u32 $0x7, v3;
	v4 =	vand.u32 $0xFFFFFFC0, v4  }
0x20: {  	v3 =	vor.u32 v3, v4  }
0x21: {  	v4 =	vperm.xlane v3, v0;
	_ =	sdelay $0x1  }
0x22: {  	v4 =	vadd.s32 v1, v4;
	_ =	sdelay $0x4  }
0x23: {  	[tilespmem:s29], [sflag:$0x1] =	stream.indirect_vreg.gather [hbm4b:s2+s3], $0x80, v4, vm0, $0xb8;
	[tilespmem:$0x10400] =	vst v63  }
0x24: {  	v3 =	vperm.xlane v3, v2  }
0x25: {  	[tilespmem:s25], [sflag:$0x1] =	stream.indirect_vreg.gather [hbm4b:s5+s3], $0x80, v4, vm0, $0xb8;
	[tilespmem:$0x10400] =	vst v63  }
0x26: {  	v3 =	vadd.s32 v1, v3  }
0x27: {  	[tilespmem:s24], [sflag:$0x1] =	stream.indirect_vreg.gather [hbm4b:s6+s3], $0x80, v4, vm0, $0xb8;
	[tilespmem:$0x10400] =	vst v63  }
0x28: {  	_ = 	snop  }
0x29: {  	[tilespmem:s26], [sflag:$0x1] =	stream.indirect_vreg.gather [hbm4b:s7+s3], $0x80, v4, vm0, $0xb8;
	[tilespmem:$0x10400] =	vst v63  }
0x2a: {  	_ = 	snop  }
0x2b: {  	[tilespmem:s31], [sflag:$0x1] =	stream.indirect_vreg.gather [hbm4b:s2+s3], $0x80, v3, vm0, $0xb8;
	[tilespmem:$0x10400] =	vst v63  }
0x2c: {  	_ = 	snop  }
0x2d: {  	[tilespmem:s30], [sflag:$0x1] =	stream.indirect_vreg.gather [hbm4b:s5+s3], $0x80, v3, vm0, $0xb8;
	[tilespmem:$0x10400] =	vst v63  }
0x2e: {  	_ = 	snop  }
0x2f: {  	[tilespmem:s1], [sflag:$0x1] =	stream.indirect_vreg.gather [hbm4b:s6+s3], $0x80, v3, vm0, $0xb8;
	[tilespmem:$0x10400] =	vst v63  }
0x30: {  	_ = 	snop  }
0x31: {  	[tilespmem:s0], [sflag:$0x1] =	stream.indirect_vreg.gather [hbm4b:s7+s3], $0x80, v3, vm0, $0xb8;
	[tilespmem:$0x10400] =	vst v63  }
0x32: {  	v3 =	vld [tilespmem:$0x10];
	_ =	sdelay $0x4  }
0x33: {  	v61 =	vshll.u32 v3, $0x3  }
0x34: {  	v3 =	vand.u32 $0x7, v3;
	v4 =	vand.u32 $0xFFFFFFC0, v61  }
0x35: {  	v3 =	vor.u32 v3, v4  }
0x36: {  	v4 =	vperm.xlane v3, v0;
	_ =	sdelay $0x1  }
0x37: {  	v4 =	vadd.s32 v1, v4;
	_ =	sdelay $0x4  }
0x38: {  	[tilespmem:s4], [sflag:$0x1] =	stream.indirect_vreg.gather [hbm4b:s2+s3], $0x80, v4, vm0, $0xb8;
	[tilespmem:$0x10400] =	vst v63  }
0x39: {  	v3 =	vperm.xlane v3, v2  }
0x3a: {  	[tilespmem:s8], [sflag:$0x1] =	stream.indirect_vreg.gather [hbm4b:s5+s3], $0x80, v4, vm0, $0xb8;
	[tilespmem:$0x10400] =	vst v63  }
0x3b: {  	v3 =	vadd.s32 v1, v3  }
0x3c: {  	[tilespmem:s9], [sflag:$0x1] =	stream.indirect_vreg.gather [hbm4b:s6+s3], $0x80, v4, vm0, $0xb8;
	[tilespmem:$0x10400] =	vst v63  }
0x3d: {  	_ = 	snop  }
0x3e: {  	[tilespmem:s10], [sflag:$0x1] =	stream.indirect_vreg.gather [hbm4b:s7+s3], $0x80, v4, vm0, $0xb8;
	[tilespmem:$0x10400] =	vst v63  }
0x3f: {  	_ = 	snop  }
0x40: {  	[tilespmem:s11], [sflag:$0x1] =	stream.indirect_vreg.gather [hbm4b:s2+s3], $0x80, v3, vm0, $0xb8;
	[tilespmem:$0x10400] =	vst v63  }
0x41: {  	_ = 	snop  }
0x42: {  	[tilespmem:s13], [sflag:$0x1] =	stream.indirect_vreg.gather [hbm4b:s5+s3], $0x80, v3, vm0, $0xb8;
	[tilespmem:$0x10400] =	vst v63  }
0x43: {  	_ = 	snop  }
0x44: {  	[tilespmem:s14], [sflag:$0x1] =	stream.indirect_vreg.gather [hbm4b:s6+s3], $0x80, v3, vm0, $0xb8;
	[tilespmem:$0x10400] =	vst v63  }
0x45: {  	_ = 	snop  }
0x46: {  	[tilespmem:s15], [sflag:$0x1] =	stream.indirect_vreg.gather [hbm4b:s7+s3], $0x80, v3, vm0, $0xb8;
	[tilespmem:$0x10400] =	vst v63  }
0x47: {  	v3 =	vld [tilespmem:$0x20];
	_ =	sdelay $0x4  }
0x48: {  	v62 =	vshll.u32 v3, $0x3  }
0x49: {  	v3 =	vand.u32 $0x7, v3;
	v4 =	vand.u32 $0xFFFFFFC0, v62  }
0x4a: {  	v3 =	vor.u32 v3, v4  }
0x4b: {  	v4 =	vperm.xlane v3, v0;
	_ =	sdelay $0x1  }
0x4c: {  	v4 =	vadd.s32 v1, v4;
	_ =	sdelay $0x4  }
0x4d: {  	[tilespmem:s28], [sflag:$0x2] =	stream.indirect_vreg.gather [hbm4b:s2+s3], $0x80, v4, vm0, $0xb8;
	[tilespmem:$0x10400] =	vst v63  }
0x4e: {  	v3 =	vperm.xlane v3, v2  }
0x4f: {  	[tilespmem:s16], [sflag:$0x2] =	stream.indirect_vreg.gather [hbm4b:s5+s3], $0x80, v4, vm0, $0xb8;
	[tilespmem:$0x10400] =	vst v63  }
0x50: {  	v3 =	vadd.s32 v1, v3  }
0x51: {  	[tilespmem:s17], [sflag:$0x2] =	stream.indirect_vreg.gather [hbm4b:s6+s3], $0x80, v4, vm0, $0xb8;
	[tilespmem:$0x10400] =	vst v63  }
0x52: {  	_ = 	snop  }
0x53: {  	[tilespmem:s18], [sflag:$0x2] =	stream.indirect_vreg.gather [hbm4b:s7+s3], $0x80, v4, vm0, $0xb8;
	[tilespmem:$0x10400] =	vst v63  }
0x54: {  	_ = 	snop  }
0x55: {  	[tilespmem:s12], [sflag:$0x2] =	stream.indirect_vreg.gather [hbm4b:s2+s3], $0x80, v3, vm0, $0xb8;
	[tilespmem:$0x10400] =	vst v63  }
0x56: {  	s17 =	simm.s32 $0xAC00  }
0x57: {  	[tilespmem:s17], [sflag:$0x2] =	stream.indirect_vreg.gather [hbm4b:s5+s3], $0x80, v3, vm0, $0xb8;
	[tilespmem:$0x10400] =	vst v63  }
0x58: {  	s18 =	simm.s32 $0xB400  }
0x59: {  	[tilespmem:s18], [sflag:$0x2] =	stream.indirect_vreg.gather [hbm4b:s6+s3], $0x80, v3, vm0, $0xb8;
	[tilespmem:$0x10400] =	vst v63  }
0x5a: {  	s23 =	simm.s32 $0xBC00  }
0x5b: {  	[tilespmem:s23], [sflag:$0x2] =	stream.indirect_vreg.gather [hbm4b:s7+s3], $0x80, v3, vm0, $0xb8;
	[tilespmem:$0x10400] =	vst v63  }
0x5c: {  	v3 =	vld [tilespmem:$0x30];
	_ =	sdelay $0x4  }
0x5d: {  	v63 =	vshll.u32 v3, $0x3  }
0x5e: {  	v3 =	vand.u32 $0x7, v3;
	v4 =	vand.u32 $0xFFFFFFC0, v63  }
0x5f: {  	v3 =	vor.u32 v3, v4  }
0x60: {  	v4 =	vperm.xlane v3, v0;
	_ =	sdelay $0x1  }
0x61: {  	v4 =	vadd.s32 v1, v4;
	_ =	sdelay $0x3  }
0x62: {  	s29 =	simm.s32 $0xE400;
	s25 =	simm.s32 $0xCC00;
	s24 =	simm.s32 $0xC400  }
0x63: {  	[tilespmem:s24], [sflag:$0x2] =	stream.indirect_vreg.gather [hbm4b:s2+s3], $0x80, v4, vm0, $0xb8;
	[tilespmem:$0x10400] =	vst v63  }
0x64: {  	s26 =	simm.s32 $0xD400;
	s31 =	simm.s32 $0xEC00;
	s30 =	simm.s32 $0x2400;
	v3 =	vperm.xlane v3, v2  }
0x65: {  	[tilespmem:s25], [sflag:$0x2] =	stream.indirect_vreg.gather [hbm4b:s5+s3], $0x80, v4, vm0, $0xb8;
	[tilespmem:$0x10400] =	vst v63  }
0x66: {  	s1 =	simm.s32 $0xF400;
	s0 =	simm.s32 $0x3C00;
	s4 =	simm.s32 $0x4400;
	v3 =	vadd.s32 v1, v3  }
0x67: {  	[tilespmem:s26], [sflag:$0x2] =	stream.indirect_vreg.gather [hbm4b:s6+s3], $0x80, v4, vm0, $0xb8;
	[tilespmem:$0x10400] =	vst v63  }
0x68: {  	s8 =	simm.s32 $0x4C00;
	s9 =	simm.s32 $0x5400;
	s28 =	simm.s32 $0xDC00  }
0x69: {  	[tilespmem:s28], [sflag:$0x2] =	stream.indirect_vreg.gather [hbm4b:s7+s3], $0x80, v4, vm0, $0xb8;
	[tilespmem:$0x10400] =	vst v63  }
0x6a: {  	s10 =	simm.s32 $0x5C00;
	s11 =	simm.s32 $0x6400;
	s13 =	simm.s32 $0x6C00  }
0x6b: {  	[tilespmem:s29], [sflag:$0x2] =	stream.indirect_vreg.gather [hbm4b:s2+s3], $0x80, v3, vm0, $0xb8;
	[tilespmem:$0x10400] =	vst v63  }
0x6c: {  	s14 =	simm.s32 $0x7400;
	s15 =	simm.s32 $0x7C00;
	s16 =	simm.s32 $0x8C00  }
0x6d: {  	[tilespmem:s31], [sflag:$0x2] =	stream.indirect_vreg.gather [hbm4b:s5+s3], $0x80, v3, vm0, $0xb8;
	[tilespmem:$0x10400] =	vst v63  }
0x6e: {  	s12 =	simm.s32 $0xA400;
	s17 =	simm.s32 $0x9400;
	s18 =	simm.s32 $0x9C00  }
0x6f: {  	[tilespmem:s1], [sflag:$0x2] =	stream.indirect_vreg.gather [hbm4b:s6+s3], $0x80, v3, vm0, $0xb8;
	[tilespmem:$0x10400] =	vst v63  }
0x70: {  	s23 =	simm.s32 $0x70;
	s24 =	simm.s32 $0x0;
	s26 =	simm.s32 $0xFC00  }
0x71: {  	[tilespmem:s26], [sflag:$0x2] =	stream.indirect_vreg.gather [hbm4b:s7+s3], $0x80, v3, vm0, $0xb8;
	[tilespmem:$0x10400] =	vst v63  }
.LBB2_2:
0x72: {  	_ =	swait.ge [sflag:s19], $0x8000  }
0x73: {  	s25 =	rddreg [dreg:$0x4];
	[sflag:s19] =	ssyncset.done $0x0  }
0x74: {  	s28 =	simm.s32 $0x400;
	[sflag:s19] =	ssyncadd.s32 $0xFFFF8000;
	s25 =	sadd.s32 s24, s25  }
0x75: {  	[hbm4b:s25+s3] =	stream.linear.scatter [tilespmem:s28], [sflag:$0x3], $0x8000, $0x38;
	[tilespmem:$0x10400] =	vst v63  }
0x76: {  	_ =	swait.ge [sflag:s20], $0x8000  }
0x77: {  	[sflag:s20] =	ssyncset.done $0x0  }
0x78: {  	s31 =	simm.s32 $0x8400;
	s25 =	sadd.s32 $0x1000, s25;
	[sflag:s20] =	ssyncadd.s32 $0xFFFF8000  }
0x79: {  	[hbm4b:s25+s3] =	stream.linear.scatter [tilespmem:s31], [sflag:$0x4], $0x8000, $0x38;
	[tilespmem:$0x10400] =	vst v63  }
0x7a: {  	_ =	swait.ge [sflag:s21], $0x8000  }
0x7b: {  	[sflag:s21] =	ssyncset.done $0x0  }
0x7c: {  	[sflag:s21] =	ssyncadd.s32 $0xFFFF8000  }
0x7d: {  	v3 =	vld [tilespmem:s23+$0xFFFFFFD0];
	_ =	sdelay $0x4  }
0x7e: {  	v4 =	vshll.u32 v3, $0x3  }
0x7f: {  	v3 =	vand.u32 $0x7, v3;
	v4 =	vand.u32 $0xFFFFFFC0, v4  }
0x80: {  	v3 =	vor.u32 v3, v4  }
0x81: {  	v4 =	vperm.xlane v3, v0;
	_ =	sdelay $0x1  }
0x82: {  	v4 =	vadd.s32 v1, v4;
	_ =	sdelay $0x4  }
0x83: {  	[tilespmem:s28], [sflag:$0x1] =	stream.indirect_vreg.gather [hbm4b:s2+s3], $0x80, v4, vm0, $0xb8;
	[tilespmem:$0x10400] =	vst v63  }
0x84: {  	s25 =	simm.s32 $0xC00;
	v3 =	vperm.xlane v3, v2  }
0x85: {  	[tilespmem:s25], [sflag:$0x1] =	stream.indirect_vreg.gather [hbm4b:s5+s3], $0x80, v4, vm0, $0xb8;
	[tilespmem:$0x10400] =	vst v63  }
0x86: {  	v3 =	vadd.s32 v1, v3;
	s28 =	simm.s32 $0x1400  }
0x87: {  	[tilespmem:s28], [sflag:$0x1] =	stream.indirect_vreg.gather [hbm4b:s6+s3], $0x80, v4, vm0, $0xb8;
	[tilespmem:$0x10400] =	vst v63  }
0x88: {  	s28 =	simm.s32 $0x1C00  }
0x89: {  	[tilespmem:s28], [sflag:$0x1] =	stream.indirect_vreg.gather [hbm4b:s7+s3], $0x80, v4, vm0, $0xb8;
	[tilespmem:$0x10400] =	vst v63  }
0x8a: {  	_ = 	snop  }
0x8b: {  	[tilespmem:s30], [sflag:$0x1] =	stream.indirect_vreg.gather [hbm4b:s2+s3], $0x80, v3, vm0, $0xb8;
	[tilespmem:$0x10400] =	vst v63  }
0x8c: {  	s28 =	simm.s32 $0x2C00  }
0x8d: {  	[tilespmem:s28], [sflag:$0x1] =	stream.indirect_vreg.gather [hbm4b:s5+s3], $0x80, v3, vm0, $0xb8;
	[tilespmem:$0x10400] =	vst v63  }
0x8e: {  	s28 =	simm.s32 $0x3400  }
0x8f: {  	[tilespmem:s28], [sflag:$0x1] =	stream.indirect_vreg.gather [hbm4b:s6+s3], $0x80, v3, vm0, $0xb8;
	[tilespmem:$0x10400] =	vst v63  }
0x90: {  	_ = 	snop  }
0x91: {  	[tilespmem:s0], [sflag:$0x1] =	stream.indirect_vreg.gather [hbm4b:s7+s3], $0x80, v3, vm0, $0xb8;
	[tilespmem:$0x10400] =	vst v63  }
0x92: {  	v3 =	vld [tilespmem:s23+$0xFFFFFFE0];
	_ =	sdelay $0x4  }
0x93: {  	v61 =	vshll.u32 v3, $0x3  }
0x94: {  	v3 =	vand.u32 $0x7, v3;
	v4 =	vand.u32 $0xFFFFFFC0, v61  }
0x95: {  	v3 =	vor.u32 v3, v4  }
0x96: {  	v4 =	vperm.xlane v3, v0;
	_ =	sdelay $0x1  }
0x97: {  	v4 =	vadd.s32 v1, v4;
	_ =	sdelay $0x4  }
0x98: {  	[tilespmem:s4], [sflag:$0x1] =	stream.indirect_vreg.gather [hbm4b:s2+s3], $0x80, v4, vm0, $0xb8;
	[tilespmem:$0x10400] =	vst v63  }
0x99: {  	v3 =	vperm.xlane v3, v2  }
0x9a: {  	[tilespmem:s8], [sflag:$0x1] =	stream.indirect_vreg.gather [hbm4b:s5+s3], $0x80, v4, vm0, $0xb8;
	[tilespmem:$0x10400] =	vst v63  }
0x9b: {  	v3 =	vadd.s32 v1, v3  }
0x9c: {  	[tilespmem:s9], [sflag:$0x1] =	stream.indirect_vreg.gather [hbm4b:s6+s3], $0x80, v4, vm0, $0xb8;
	[tilespmem:$0x10400] =	vst v63  }
0x9d: {  	_ = 	snop  }
0x9e: {  	[tilespmem:s10], [sflag:$0x1] =	stream.indirect_vreg.gather [hbm4b:s7+s3], $0x80, v4, vm0, $0xb8;
	[tilespmem:$0x10400] =	vst v63  }
0x9f: {  	_ = 	snop  }
0xa0: {  	[tilespmem:s11], [sflag:$0x1] =	stream.indirect_vreg.gather [hbm4b:s2+s3], $0x80, v3, vm0, $0xb8;
	[tilespmem:$0x10400] =	vst v63  }
0xa1: {  	_ = 	snop  }
0xa2: {  	[tilespmem:s13], [sflag:$0x1] =	stream.indirect_vreg.gather [hbm4b:s5+s3], $0x80, v3, vm0, $0xb8;
	[tilespmem:$0x10400] =	vst v63  }
0xa3: {  	_ = 	snop  }
0xa4: {  	[tilespmem:s14], [sflag:$0x1] =	stream.indirect_vreg.gather [hbm4b:s6+s3], $0x80, v3, vm0, $0xb8;
	[tilespmem:$0x10400] =	vst v63  }
0xa5: {  	_ = 	snop  }
0xa6: {  	[tilespmem:s15], [sflag:$0x1] =	stream.indirect_vreg.gather [hbm4b:s7+s3], $0x80, v3, vm0, $0xb8;
	[tilespmem:$0x10400] =	vst v63  }
0xa7: {  	_ =	swait.ge [sflag:s22], $0x8000  }
0xa8: {  	[sflag:s22] =	ssyncset.done $0x0  }
0xa9: {  	[sflag:s22] =	ssyncadd.s32 $0xFFFF8000  }
0xaa: {  	v3 =	vld [tilespmem:s23+$0xFFFFFFF0];
	_ =	sdelay $0x4  }
0xab: {  	v62 =	vshll.u32 v3, $0x3  }
0xac: {  	v3 =	vand.u32 $0x7, v3;
	v4 =	vand.u32 $0xFFFFFFC0, v62  }
0xad: {  	v3 =	vor.u32 v3, v4  }
0xae: {  	v4 =	vperm.xlane v3, v0;
	_ =	sdelay $0x1  }
0xaf: {  	v4 =	vadd.s32 v1, v4;
	_ =	sdelay $0x4  }
0xb0: {  	[tilespmem:s31], [sflag:$0x2] =	stream.indirect_vreg.gather [hbm4b:s2+s3], $0x80, v4, vm0, $0xb8;
	[tilespmem:$0x10400] =	vst v63  }
0xb1: {  	v3 =	vperm.xlane v3, v2  }
0xb2: {  	[tilespmem:s16], [sflag:$0x2] =	stream.indirect_vreg.gather [hbm4b:s5+s3], $0x80, v4, vm0, $0xb8;
	[tilespmem:$0x10400] =	vst v63  }
0xb3: {  	v3 =	vadd.s32 v1, v3  }
0xb4: {  	[tilespmem:s17], [sflag:$0x2] =	stream.indirect_vreg.gather [hbm4b:s6+s3], $0x80, v4, vm0, $0xb8;
	[tilespmem:$0x10400] =	vst v63  }
0xb5: {  	_ = 	snop  }
0xb6: {  	[tilespmem:s18], [sflag:$0x2] =	stream.indirect_vreg.gather [hbm4b:s7+s3], $0x80, v4, vm0, $0xb8;
	[tilespmem:$0x10400] =	vst v63  }
0xb7: {  	_ = 	snop  }
0xb8: {  	[tilespmem:s12], [sflag:$0x2] =	stream.indirect_vreg.gather [hbm4b:s2+s3], $0x80, v3, vm0, $0xb8;
	[tilespmem:$0x10400] =	vst v63  }
0xb9: {  	s31 =	simm.s32 $0xAC00  }
0xba: {  	[tilespmem:s31], [sflag:$0x2] =	stream.indirect_vreg.gather [hbm4b:s5+s3], $0x80, v3, vm0, $0xb8;
	[tilespmem:$0x10400] =	vst v63  }
0xbb: {  	s31 =	simm.s32 $0xB400  }
0xbc: {  	[tilespmem:s31], [sflag:$0x2] =	stream.indirect_vreg.gather [hbm4b:s6+s3], $0x80, v3, vm0, $0xb8;
	[tilespmem:$0x10400] =	vst v63  }
0xbd: {  	s31 =	simm.s32 $0xBC00  }
0xbe: {  	[tilespmem:s31], [sflag:$0x2] =	stream.indirect_vreg.gather [hbm4b:s7+s3], $0x80, v3, vm0, $0xb8;
	[tilespmem:$0x10400] =	vst v63  }
0xbf: {  	v3 =	vld [tilespmem:s23+$0x0];
	_ =	sdelay $0x4  }
0xc0: {  	v63 =	vshll.u32 v3, $0x3  }
0xc1: {  	v3 =	vand.u32 $0x7, v3;
	v4 =	vand.u32 $0xFFFFFFC0, v63  }
0xc2: {  	v3 =	vor.u32 v3, v4  }
0xc3: {  	v4 =	vperm.xlane v3, v0;
	_ =	sdelay $0x1  }
0xc4: {  	v4 =	vadd.s32 v1, v4;
	_ =	sdelay $0x3  }
0xc5: {  	s31 =	simm.s32 $0xC400  }
0xc6: {  	[tilespmem:s31], [sflag:$0x2] =	stream.indirect_vreg.gather [hbm4b:s2+s3], $0x80, v4, vm0, $0xb8;
	[tilespmem:$0x10400] =	vst v63  }
0xc7: {  	v3 =	vperm.xlane v3, v2;
	s31 =	simm.s32 $0xCC00  }
0xc8: {  	[tilespmem:s31], [sflag:$0x2] =	stream.indirect_vreg.gather [hbm4b:s5+s3], $0x80, v4, vm0, $0xb8;
	[tilespmem:$0x10400] =	vst v63  }
0xc9: {  	v3 =	vadd.s32 v1, v3;
	s31 =	simm.s32 $0xD400  }
0xca: {  	[tilespmem:s31], [sflag:$0x2] =	stream.indirect_vreg.gather [hbm4b:s6+s3], $0x80, v4, vm0, $0xb8;
	[tilespmem:$0x10400] =	vst v63  }
0xcb: {  	s31 =	simm.s32 $0xDC00  }
0xcc: {  	[tilespmem:s31], [sflag:$0x2] =	stream.indirect_vreg.gather [hbm4b:s7+s3], $0x80, v4, vm0, $0xb8;
	[tilespmem:$0x10400] =	vst v63  }
0xcd: {  	s31 =	simm.s32 $0xE400  }
0xce: {  	[tilespmem:s31], [sflag:$0x2] =	stream.indirect_vreg.gather [hbm4b:s2+s3], $0x80, v3, vm0, $0xb8;
	[tilespmem:$0x10400] =	vst v63  }
0xcf: {  	p0 =	sne.s32 s24, $0x1C000;
	s31 =	simm.s32 $0xEC00  }
0xd0: {  	[tilespmem:s31], [sflag:$0x2] =	stream.indirect_vreg.gather [hbm4b:s5+s3], $0x80, v3, vm0, $0xb8;
	[tilespmem:$0x10400] =	vst v63  }
.Ltmp0:
0xd1: {  	_ = 	snop;
	(pc) =	sbr.rel @p0 .LBB2_2-.Ltmp0, $4  }
0xd2: {  	s29 =	simm.s32 $0x400  }
0xd3: {  	[tilespmem:s1], [sflag:$0x2] =	stream.indirect_vreg.gather [hbm4b:s6+s3], $0x80, v3, vm0, $0xb8;
	[tilespmem:$0x10400] =	vst v63  }
0xd4: {  	s24 =	sadd.s32 $0x2000, s24;
	s28 =	simm.s32 $0x8400;
	s23 =	sadd.s32 $0x40, s23  }
0xd5: {  	[tilespmem:s26], [sflag:$0x2] =	stream.indirect_vreg.gather [hbm4b:s7+s3], $0x80, v3, vm0, $0xb8;
	[tilespmem:$0x10400] =	vst v63  }
0xd6: {  	_ =	swait.ge [sflag:s19], $0x8000  }
0xd7: {  	[sflag:s19] =	ssyncset.done $0x0  }
0xd8: {  	s23 =	rddreg [dreg:$0x6];
	[sflag:s19] =	ssyncadd.s32 $0xFFFF8000  }
0xd9: {  	[hbm4b:s23+s3] =	stream.linear.scatter [tilespmem:s29], [sflag:$0x3], $0x8000, $0x38;
	[tilespmem:$0x10400] =	vst v63  }
0xda: {  	_ =	swait.ge [sflag:s20], $0x8000  }
0xdb: {  	[sflag:s20] =	ssyncset.done $0x0  }
0xdc: {  	s24 =	rddreg [dreg:$0x7];
	[sflag:s20] =	ssyncadd.s32 $0xFFFF8000  }
0xdd: {  	[hbm4b:s24+s3] =	stream.linear.scatter [tilespmem:s28], [sflag:$0x4], $0x8000, $0x38;
	[tilespmem:$0x10400] =	vst v63  }
0xde: {  	_ =	swait.ge [sflag:s21], $0x8000  }
0xdf: {  	[sflag:s21] =	ssyncset.done $0x0  }
0xe0: {  	[sflag:s21] =	ssyncadd.s32 $0xFFFF8000  }
0xe1: {  	s31 =	simm.s32 $0x2400;
	s30 =	simm.s32 $0x2C00;
	_ =	swait.ge [sflag:s22], $0x8000  }
0xe2: {  	s1 =	simm.s32 $0x3400;
	s4 =	simm.s32 $0x4400;
	s0 =	rddreg [dreg:$0x9]  }
0xe3: {  	s8 =	simm.s32 $0x4C00;
	s26 =	rddreg [dreg:$0x8];
	s0 =	sadd.s32 $0x1, s0  }
0xe4: {  	s9 =	simm.s32 $0x5400;
	s10 =	simm.s32 $0x5C00;
	p0 =	sne.s32 s0, s26  }
.Ltmp1:
0xe5: {  	s11 =	simm.s32 $0x6400;
	s13 =	simm.s32 $0x6C00;
	(pc) =	sbr.rel @p0 .LBB2_1-.Ltmp1, $4  }
0xe6: {  	s14 =	simm.s32 $0x7400;
	s15 =	simm.s32 $0x7C00;
	s16 =	simm.s32 $0x8C00  }
0xe7: {  	s17 =	simm.s32 $0x9400;
	s18 =	simm.s32 $0x9C00;
	[sflag:s22] =	ssyncset.done $0x0  }
0xe8: {  	s12 =	simm.s32 $0xA400;
	s24 =	simm.s32 $0x1400;
	[sflag:s22] =	ssyncadd.s32 $0xFFFF8000  }
0xe9: {  	[dreg:$0x9] =	wrdreg s0;
	s26 =	simm.s32 $0x1C00;
	s0 =	simm.s32 $0x3C00  }
0xea: {  	_ =	sfence.sel $0x180000  }
0xeb: {  	[bflag:$0x0] =	sbarrier.arrive $0xFFFF  }
0xec: {  	_ =	strace $0x90000047  }
0xed: {  	s0 =	stileid.u32;
	[bflag:$0x2] =	sbarrier.arrive $0xFFFF  }
0xee: {  	p0 =	sne.s32 s0, $0x0;
	s0 =	rddreg [dreg:$0x3]  }
0xef: {  	s0 =	sadd.s32 @!p0 $0x100000, s0  }
0xf0: {  	[sflag:s0] =	ssyncadd.tile.s32 @!p0 $0x1;
	_ =	shalt  }
.Lfunc_end2:
_tile_overlayer_lowered:
.L_overlay_start_2:
0xf1: {  	(tag) =	ssettag $0x2  }
0xf2: {  	s0 =	rddreg [dreg:$0x0];
	s2 =	stileid.u32  }
0xf3: {  	s1 =	rddreg [dreg:$0x1];
	p0 =	sne.s32 s2, $0x0  }
0xf4: {  	s3 =	rddreg [dreg:$0x2];
	[bflag:$0x3] =	sbarrier.arrive $0xFFFF;
	s2 =	simm.s32 @!p0 $0x1C05  }
0xf5: {  	[timem:s3], [sflag:s2] =	dma.local @!p0 [hbm:s0], s1  }
0xf6: {  	s0 =	simm.s32 @!p0 $0x5  }
0xf7: {  	_ =	swait.ge @!p0 [sflag:s0], s1  }
0xf8: {  	s1 =	ssub.s32 @!p0 $0x0, s1;
	[sflag:s0] =	ssyncset.done @!p0 $0x0  }
0xf9: {  	[sflag:s0] =	ssyncadd.s32 @!p0 s1  }
0xfa: {  	[bflag:$0x3] =	sbarrier.arrive $0xFFFF  }
0xfb: {  	_ =	shalt  }

</sc_bundles>
